<compile_context>
chip_gen: v7x
topology: tpu7x:2x2x1
jax: 0.10.2.dev20260603
libtpu: 0.0.44.dev20260713+nightly
codegen_flags: <defaults>
</compile_context>

<pallas_src>
import jax
import jax.numpy as jnp
from jax import lax
from jax.experimental import pallas as pl
from jax.experimental.pallas import tpu as pltpu

_BS = 32
_DX = 512
_DY = 512
_NPT = _DX * _DY
_NCH = _NPT // 128
_NR = 2 * _NCH
_RB = 4096
_BB = 4


def _pc_body(xl_ref, yl_ref, a_ref, b_ref):
    sub = lax.broadcasted_iota(jnp.int32, (8, 128), 0)
    lane = lax.broadcasted_iota(jnp.int32, (8, 128), 1)
    ypat = (((sub >> 1) & 3) << 7) + lane
    ypat_f = ypat.astype(jnp.float32)
    m8 = (sub & 1) == 0
    ng = _RB // 8
    mfull = jnp.broadcast_to(m8[None], (ng, 8, 128)).reshape(_RB, 128)
    q = lax.broadcasted_iota(jnp.int32, (_RB, 1), 0) >> 3
    qf = q.astype(jnp.float32)

    for i in range(_BB):
        b = pl.program_id(0) * _BB + i
        x0 = xl_ref[b, 0]
        y0 = yl_ref[b, 0]
        wx = (xl_ref[b, 1] - x0) * (1.0 / _DX)
        wy = (yl_ref[b, 1] - y0) * (1.0 / _DY)
        bx = x0 + wx * 0.5
        by = y0 + wy * 0.5
        y8 = ypat_f * wy + by
        yfull = jnp.broadcast_to(y8[None], (ng, 8, 128)).reshape(_RB, 128)
        xcol = qf * wx + bx
        v = jnp.where(mfull, jnp.broadcast_to(xcol, (_RB, 128)), yfull)
        a_ref[i] = v[: _RB // 2]
        b_ref[i] = v[_RB // 2 :]


def kernel(hist, x_lims, y_lims):
    a = pl.pallas_call(
        _pc_body,
        grid=(_BS // _BB,),
        in_specs=[
            pl.BlockSpec(memory_space=pltpu.SMEM),
            pl.BlockSpec(memory_space=pltpu.SMEM),
        ],
        out_specs=[
            pl.BlockSpec((_BB, _RB // 2, 128), lambda b: (b, 0, 0)),
            pl.BlockSpec((_BB, _RB // 2, 128), lambda b: (b, 0, 0)),
        ],
        out_shape=[
            jax.ShapeDtypeStruct((_BS, _NR // 2, 128), jnp.float32),
            jax.ShapeDtypeStruct((_BS, _NR // 2, 128), jnp.float32),
        ],
    )(x_lims, y_lims)
    pc = a[0].reshape(_BS, _NCH // 2, 2, 128).transpose(0, 1, 3, 2).reshape(_BS, _NPT // 2, 2)
    return pc, hist.reshape(_BS, _NPT)

# --- scband reference (transcript-rebuilt; emitter-appended) ---
"""Pipeline reference for scband-hist-to-point-cloud-43559558316078 (READ-ONLY COPY).

The authoritative reference and input builder live on the scoring server;
editing this copy changes nothing except your own understanding.
"""

import jax, jax.numpy as jnp
import numpy as np


def setup_inputs(seed: int = 0) -> dict:
    key = jax.random.key(seed)
    k1, k2, k3 = jax.random.split(key, 3)
    hist = jax.random.uniform(k1, (32, 512, 512), dtype=jnp.float32)
    x_lims = jax.random.uniform(k2, (32, 2), dtype=jnp.float32)
    y_lims = jax.random.uniform(k3, (32, 2), dtype=jnp.float32)
    return {"hist": hist, "x_lims": x_lims, "y_lims": y_lims}


def reference(hist, x_lims, y_lims):
    # HistToPointCloud with as_sequence=False (dense grid branch)
    bs, dim_x, dim_y = hist.shape
    coord_x_width = (x_lims[:, 1] - x_lims[:, 0]) / dim_x
    coord_y_width = (y_lims[:, 1] - y_lims[:, 0]) / dim_y
    coord_x = jnp.linspace(0.0, 1.0, dim_x, dtype=hist.dtype).reshape(1, -1)
    coord_x = coord_x * coord_x_width.reshape(-1, 1) * (dim_x - 1)
    coord_x = coord_x + x_lims[:, 0].reshape(-1, 1) + coord_x_width.reshape(-1, 1) / 2.0
    coord_y = jnp.linspace(0.0, 1.0, dim_y, dtype=hist.dtype).reshape(1, -1)
    coord_y = coord_y * coord_y_width.reshape(-1, 1) * (dim_y - 1)
    coord_y = coord_y + y_lims[:, 0].reshape(-1, 1) + coord_y_width.reshape(-1, 1) / 2.0
    mesh_x = coord_x[:, :, None]  # [bs, dim_x, 1]
    mesh_y = coord_y[:, None, :]  # [bs, 1, dim_y]
    pc_x = (mesh_x * jnp.ones_like(mesh_y)).reshape(bs, -1)
    pc_y = (mesh_y * jnp.ones_like(mesh_x)).reshape(bs, -1)
    pc_weights = hist.reshape(bs, -1)
    return (jnp.stack([pc_x, pc_y], axis=-1), pc_weights)

if __name__ == "__main__":
    import jax
    _d = setup_inputs()
    print(jax.jit(kernel)(*tuple(_d.values())))

</pallas_src>

<mosaic_0001>
module attributes {stable_mosaic.version = 14 : i64} {
  func.func @_pc_body(%arg0: i32, %arg1: memref<32x2xf32, #tpu.memory_space<smem>>, %arg2: memref<32x2xf32, #tpu.memory_space<smem>>, %arg3: memref<4x2048x128xf32, #tpu.memory_space<vmem>>, %arg4: memref<4x2048x128xf32, #tpu.memory_space<vmem>>) attributes {dimension_semantics = [#tpu.dimension_semantics<arbitrary>], iteration_bounds = array<i64: 8>, scalar_prefetch = 0 : i64, scratch_operands = 0 : i64, tpu.core_type = #tpu.core_type<tc>, window_params = [{transform_indices = @transform_0, window_bounds = array<i64: 32, 2>}, {transform_indices = @transform_1, window_bounds = array<i64: 32, 2>}, {transform_indices = @transform_2, window_bounds = array<i64: 4, 2048, 128>}, {transform_indices = @transform_3, window_bounds = array<i64: 4, 2048, 128>}]} {
    %iota3A = tpu.iota {dimensions = array<i32: 0>} : vector<8x128xi32>
    %iota3A_0 = tpu.iota {dimensions = array<i32: 1>} : vector<8x128xi32>
    %shift_right_arithmetic3A = arith.constant 1 : i32
    %shift_right_arithmetic3A_1 = vector.broadcast %shift_right_arithmetic3A : i32 to vector<8x128xi32>
    %shift_right_arithmetic3A_2 = arith.shrsi %iota3A, %shift_right_arithmetic3A_1 : vector<8x128xi32>
    %and3A = arith.constant 3 : i32
    %and3A_3 = vector.broadcast %and3A : i32 to vector<8x128xi32>
    %and3A_4 = arith.andi %shift_right_arithmetic3A_2, %and3A_3 : vector<8x128xi32>
    %shift_left3A = arith.constant 7 : i32
    %shift_left3A_5 = vector.broadcast %shift_left3A : i32 to vector<8x128xi32>
    %shift_left3A_6 = arith.shli %and3A_4, %shift_left3A_5 : vector<8x128xi32>
    %add3A = arith.addi %shift_left3A_6, %iota3A_0 : vector<8x128xi32>
    %convert_element_type3A = arith.sitofp %add3A : vector<8x128xi32> to vector<8x128xf32>
    %and3A_7 = arith.constant 1 : i32
    %and3A_8 = vector.broadcast %and3A_7 : i32 to vector<8x128xi32>
    %and3A_9 = arith.andi %iota3A, %and3A_8 : vector<8x128xi32>
    %eq3A = arith.constant 0 : i32
    %eq3A_10 = vector.broadcast %eq3A : i32 to vector<8x128xi32>
    %eq3A_11 = arith.cmpi eq, %and3A_9, %eq3A_10 : vector<8x128xi32>
    %broadcast_in_dim3A = vector.shape_cast %eq3A_11 : vector<8x128xi1> to vector<1x8x128xi1>
    %broadcast_in_dim3A_12 = vector.shape_cast %broadcast_in_dim3A : vector<1x8x128xi1> to vector<1x8x128xi1>
    %broadcast_in_dim3A_13 = vector.broadcast %broadcast_in_dim3A_12 : vector<1x8x128xi1> to vector<512x8x128xi1>
    %reshape3A = vector.shape_cast %broadcast_in_dim3A_13 : vector<512x8x128xi1> to vector<4096x128xi1>
    %iota3A_14 = tpu.iota {dimensions = array<i32: 0>} : vector<4096x1xi32>
    %shift_right_arithmetic3A_15 = arith.constant 3 : i32
    %shift_right_arithmetic3A_16 = vector.broadcast %shift_right_arithmetic3A_15 : i32 to vector<4096x1xi32>
    %shift_right_arithmetic3A_17 = arith.shrsi %iota3A_14, %shift_right_arithmetic3A_16 : vector<4096x1xi32>
    %convert_element_type3A_18 = arith.sitofp %shift_right_arithmetic3A_17 : vector<4096x1xi32> to vector<4096x1xf32>
    %mul3A = arith.constant 4 : i32
    %mul3A_19 = arith.muli %arg0, %mul3A : i32
    %add3A_20 = arith.constant 0 : i32
    %add3A_21 = arith.addi %mul3A_19, %add3A_20 : i32
    %get3A = arith.index_cast %add3A_21 : i32 to index
    %get3A_22 = arith.constant 0 : index
    %get3A_23 = memref.load %arg1[%get3A, %get3A_22] : memref<32x2xf32, #tpu.memory_space<smem>>
    %get3A_24 = arith.index_cast %add3A_21 : i32 to index
    %get3A_25 = arith.constant 0 : index
    %get3A_26 = memref.load %arg2[%get3A_24, %get3A_25] : memref<32x2xf32, #tpu.memory_space<smem>>
    %get3A_27 = arith.index_cast %add3A_21 : i32 to index
    %get3A_28 = arith.constant 1 : index
    %get3A_29 = memref.load %arg1[%get3A_27, %get3A_28] : memref<32x2xf32, #tpu.memory_space<smem>>
    %sub3A = arith.subf %get3A_29, %get3A_23 : f32
    %mul3A_30 = arith.constant 0.001953125 : f32
    %mul3A_31 = arith.mulf %sub3A, %mul3A_30 : f32
    %get3A_32 = arith.index_cast %add3A_21 : i32 to index
    %get3A_33 = arith.constant 1 : index
    %get3A_34 = memref.load %arg2[%get3A_32, %get3A_33] : memref<32x2xf32, #tpu.memory_space<smem>>
    %sub3A_35 = arith.subf %get3A_34, %get3A_26 : f32
    %mul3A_36 = arith.constant 0.001953125 : f32
    %mul3A_37 = arith.mulf %sub3A_35, %mul3A_36 : f32
    %mul3A_38 = arith.constant 5.000000e-01 : f32
    %mul3A_39 = arith.mulf %mul3A_31, %mul3A_38 : f32
    %add3A_40 = arith.addf %get3A_23, %mul3A_39 : f32
    %mul3A_41 = arith.constant 5.000000e-01 : f32
    %mul3A_42 = arith.mulf %mul3A_37, %mul3A_41 : f32
    %add3A_43 = arith.addf %get3A_26, %mul3A_42 : f32
    %mul3A_44 = vector.broadcast %mul3A_37 : f32 to vector<8x128xf32>
    %mul3A_45 = arith.mulf %convert_element_type3A, %mul3A_44 : vector<8x128xf32>
    %add3A_46 = vector.broadcast %add3A_43 : f32 to vector<8x128xf32>
    %add3A_47 = arith.addf %mul3A_45, %add3A_46 : vector<8x128xf32>
    %broadcast_in_dim3A_48 = vector.shape_cast %add3A_47 : vector<8x128xf32> to vector<1x8x128xf32>
    %broadcast_in_dim3A_49 = vector.shape_cast %broadcast_in_dim3A_48 : vector<1x8x128xf32> to vector<1x8x128xf32>
    %broadcast_in_dim3A_50 = vector.broadcast %broadcast_in_dim3A_49 : vector<1x8x128xf32> to vector<512x8x128xf32>
    %reshape3A_51 = vector.shape_cast %broadcast_in_dim3A_50 : vector<512x8x128xf32> to vector<4096x128xf32>
    %mul3A_52 = vector.broadcast %mul3A_31 : f32 to vector<4096x1xf32>
    %mul3A_53 = arith.mulf %convert_element_type3A_18, %mul3A_52 : vector<4096x1xf32>
    %add3A_54 = vector.broadcast %add3A_40 : f32 to vector<4096x1xf32>
    %add3A_55 = arith.addf %mul3A_53, %add3A_54 : vector<4096x1xf32>
    %broadcast_in_dim3A_56 = vector.shape_cast %add3A_55 : vector<4096x1xf32> to vector<4096x1xf32>
    %broadcast_in_dim3A_57 = vector.broadcast %broadcast_in_dim3A_56 : vector<4096x1xf32> to vector<4096x128xf32>
    %select_n3A = arith.select %reshape3A, %broadcast_in_dim3A_57, %reshape3A_51 : vector<4096x128xi1>, vector<4096x128xf32>
    %slice3A = vector.extract_strided_slice %select_n3A {offsets = [0, 0], sizes = [2048, 128], strides = [1, 1]} : vector<4096x128xf32> to vector<2048x128xf32>
    %swap3A = arith.constant 0 : index
    %swap3A_58 = arith.constant 0 : index
    %swap3A_59 = arith.constant 0 : index
    %swap3A_60 = vector.load %arg3[%swap3A, %swap3A_58, %swap3A_59] : memref<4x2048x128xf32, #tpu.memory_space<vmem>>, vector<1x2048x128xf32>
    %swap3A_61 = vector.shape_cast %swap3A_60 : vector<1x2048x128xf32> to vector<2048x128xf32>
    %swap3A_62 = vector.shape_cast %slice3A : vector<2048x128xf32> to vector<1x2048x128xf32>
    tpu.vector_store %arg3[%swap3A, %swap3A_58, %swap3A_59], %swap3A_62 {strides = array<i32>} : memref<4x2048x128xf32, #tpu.memory_space<vmem>>, vector<1x2048x128xf32>,
    %slice3A_63 = vector.extract_strided_slice %select_n3A {offsets = [2048, 0], sizes = [2048, 128], strides = [1, 1]} : vector<4096x128xf32> to vector<2048x128xf32>
    %swap3A_64 = arith.constant 0 : index
    %swap3A_65 = arith.constant 0 : index
    %swap3A_66 = arith.constant 0 : index
    %swap3A_67 = vector.load %arg4[%swap3A_64, %swap3A_65, %swap3A_66] : memref<4x2048x128xf32, #tpu.memory_space<vmem>>, vector<1x2048x128xf32>
    %swap3A_68 = vector.shape_cast %swap3A_67 : vector<1x2048x128xf32> to vector<2048x128xf32>
    %swap3A_69 = vector.shape_cast %slice3A_63 : vector<2048x128xf32> to vector<1x2048x128xf32>
    tpu.vector_store %arg4[%swap3A_64, %swap3A_65, %swap3A_66], %swap3A_69 {strides = array<i32>} : memref<4x2048x128xf32, #tpu.memory_space<vmem>>, vector<1x2048x128xf32>,
    %mul3A_70 = arith.constant 4 : i32
    %mul3A_71 = arith.muli %arg0, %mul3A_70 : i32
    %add3A_72 = arith.constant 1 : i32
    %add3A_73 = arith.addi %mul3A_71, %add3A_72 : i32
    %get3A_74 = arith.index_cast %add3A_73 : i32 to index
    %get3A_75 = arith.constant 0 : index
    %get3A_76 = memref.load %arg1[%get3A_74, %get3A_75] : memref<32x2xf32, #tpu.memory_space<smem>>
    %get3A_77 = arith.index_cast %add3A_73 : i32 to index
    %get3A_78 = arith.constant 0 : index
    %get3A_79 = memref.load %arg2[%get3A_77, %get3A_78] : memref<32x2xf32, #tpu.memory_space<smem>>
    %get3A_80 = arith.index_cast %add3A_73 : i32 to index
    %get3A_81 = arith.constant 1 : index
    %get3A_82 = memref.load %arg1[%get3A_80, %get3A_81] : memref<32x2xf32, #tpu.memory_space<smem>>
    %sub3A_83 = arith.subf %get3A_82, %get3A_76 : f32
    %mul3A_84 = arith.constant 0.001953125 : f32
    %mul3A_85 = arith.mulf %sub3A_83, %mul3A_84 : f32
    %get3A_86 = arith.index_cast %add3A_73 : i32 to index
    %get3A_87 = arith.constant 1 : index
    %get3A_88 = memref.load %arg2[%get3A_86, %get3A_87] : memref<32x2xf32, #tpu.memory_space<smem>>
    %sub3A_89 = arith.subf %get3A_88, %get3A_79 : f32
    %mul3A_90 = arith.constant 0.001953125 : f32
    %mul3A_91 = arith.mulf %sub3A_89, %mul3A_90 : f32
    %mul3A_92 = arith.constant 5.000000e-01 : f32
    %mul3A_93 = arith.mulf %mul3A_85, %mul3A_92 : f32
    %add3A_94 = arith.addf %get3A_76, %mul3A_93 : f32
    %mul3A_95 = arith.constant 5.000000e-01 : f32
    %mul3A_96 = arith.mulf %mul3A_91, %mul3A_95 : f32
    %add3A_97 = arith.addf %get3A_79, %mul3A_96 : f32
    %mul3A_98 = vector.broadcast %mul3A_91 : f32 to vector<8x128xf32>
    %mul3A_99 = arith.mulf %convert_element_type3A, %mul3A_98 : vector<8x128xf32>
    %add3A_100 = vector.broadcast %add3A_97 : f32 to vector<8x128xf32>
    %add3A_101 = arith.addf %mul3A_99, %add3A_100 : vector<8x128xf32>
    %broadcast_in_dim3A_102 = vector.shape_cast %add3A_101 : vector<8x128xf32> to vector<1x8x128xf32>
    %broadcast_in_dim3A_103 = vector.shape_cast %broadcast_in_dim3A_102 : vector<1x8x128xf32> to vector<1x8x128xf32>
    %broadcast_in_dim3A_104 = vector.broadcast %broadcast_in_dim3A_103 : vector<1x8x128xf32> to vector<512x8x128xf32>
    %reshape3A_105 = vector.shape_cast %broadcast_in_dim3A_104 : vector<512x8x128xf32> to vector<4096x128xf32>
    %mul3A_106 = vector.broadcast %mul3A_85 : f32 to vector<4096x1xf32>
    %mul3A_107 = arith.mulf %convert_element_type3A_18, %mul3A_106 : vector<4096x1xf32>
    %add3A_108 = vector.broadcast %add3A_94 : f32 to vector<4096x1xf32>
    %add3A_109 = arith.addf %mul3A_107, %add3A_108 : vector<4096x1xf32>
    %broadcast_in_dim3A_110 = vector.shape_cast %add3A_109 : vector<4096x1xf32> to vector<4096x1xf32>
    %broadcast_in_dim3A_111 = vector.broadcast %broadcast_in_dim3A_110 : vector<4096x1xf32> to vector<4096x128xf32>
    %select_n3A_112 = arith.select %reshape3A, %broadcast_in_dim3A_111, %reshape3A_105 : vector<4096x128xi1>, vector<4096x128xf32>
    %slice3A_113 = vector.extract_strided_slice %select_n3A_112 {offsets = [0, 0], sizes = [2048, 128], strides = [1, 1]} : vector<4096x128xf32> to vector<2048x128xf32>
    %swap3A_114 = arith.constant 1 : index
    %swap3A_115 = arith.constant 0 : index
    %swap3A_116 = arith.constant 0 : index
    %swap3A_117 = vector.load %arg3[%swap3A_114, %swap3A_115, %swap3A_116] : memref<4x2048x128xf32, #tpu.memory_space<vmem>>, vector<1x2048x128xf32>
    %swap3A_118 = vector.shape_cast %swap3A_117 : vector<1x2048x128xf32> to vector<2048x128xf32>
    %swap3A_119 = vector.shape_cast %slice3A_113 : vector<2048x128xf32> to vector<1x2048x128xf32>
    tpu.vector_store %arg3[%swap3A_114, %swap3A_115, %swap3A_116], %swap3A_119 {strides = array<i32>} : memref<4x2048x128xf32, #tpu.memory_space<vmem>>, vector<1x2048x128xf32>,
    %slice3A_120 = vector.extract_strided_slice %select_n3A_112 {offsets = [2048, 0], sizes = [2048, 128], strides = [1, 1]} : vector<4096x128xf32> to vector<2048x128xf32>
    %swap3A_121 = arith.constant 1 : index
    %swap3A_122 = arith.constant 0 : index
    %swap3A_123 = arith.constant 0 : index
    %swap3A_124 = vector.load %arg4[%swap3A_121, %swap3A_122, %swap3A_123] : memref<4x2048x128xf32, #tpu.memory_space<vmem>>, vector<1x2048x128xf32>
    %swap3A_125 = vector.shape_cast %swap3A_124 : vector<1x2048x128xf32> to vector<2048x128xf32>
    %swap3A_126 = vector.shape_cast %slice3A_120 : vector<2048x128xf32> to vector<1x2048x128xf32>
    tpu.vector_store %arg4[%swap3A_121, %swap3A_122, %swap3A_123], %swap3A_126 {strides = array<i32>} : memref<4x2048x128xf32, #tpu.memory_space<vmem>>, vector<1x2048x128xf32>,
    %mul3A_127 = arith.constant 4 : i32
    %mul3A_128 = arith.muli %arg0, %mul3A_127 : i32
    %add3A_129 = arith.constant 2 : i32
    %add3A_130 = arith.addi %mul3A_128, %add3A_129 : i32
    %get3A_131 = arith.index_cast %add3A_130 : i32 to index
    %get3A_132 = arith.constant 0 : index
    %get3A_133 = memref.load %arg1[%get3A_131, %get3A_132] : memref<32x2xf32, #tpu.memory_space<smem>>
    %get3A_134 = arith.index_cast %add3A_130 : i32 to index
    %get3A_135 = arith.constant 0 : index
    %get3A_136 = memref.load %arg2[%get3A_134, %get3A_135] : memref<32x2xf32, #tpu.memory_space<smem>>
    %get3A_137 = arith.index_cast %add3A_130 : i32 to index
    %get3A_138 = arith.constant 1 : index
    %get3A_139 = memref.load %arg1[%get3A_137, %get3A_138] : memref<32x2xf32, #tpu.memory_space<smem>>
    %sub3A_140 = arith.subf %get3A_139, %get3A_133 : f32
    %mul3A_141 = arith.constant 0.001953125 : f32
    %mul3A_142 = arith.mulf %sub3A_140, %mul3A_141 : f32
    %get3A_143 = arith.index_cast %add3A_130 : i32 to index
    %get3A_144 = arith.constant 1 : index
    %get3A_145 = memref.load %arg2[%get3A_143, %get3A_144] : memref<32x2xf32, #tpu.memory_space<smem>>
    %sub3A_146 = arith.subf %get3A_145, %get3A_136 : f32
    %mul3A_147 = arith.constant 0.001953125 : f32
    %mul3A_148 = arith.mulf %sub3A_146, %mul3A_147 : f32
    %mul3A_149 = arith.constant 5.000000e-01 : f32
    %mul3A_150 = arith.mulf %mul3A_142, %mul3A_149 : f32
    %add3A_151 = arith.addf %get3A_133, %mul3A_150 : f32
    %mul3A_152 = arith.constant 5.000000e-01 : f32
    %mul3A_153 = arith.mulf %mul3A_148, %mul3A_152 : f32
    %add3A_154 = arith.addf %get3A_136, %mul3A_153 : f32
    %mul3A_155 = vector.broadcast %mul3A_148 : f32 to vector<8x128xf32>
    %mul3A_156 = arith.mulf %convert_element_type3A, %mul3A_155 : vector<8x128xf32>
    %add3A_157 = vector.broadcast %add3A_154 : f32 to vector<8x128xf32>
    %add3A_158 = arith.addf %mul3A_156, %add3A_157 : vector<8x128xf32>
    %broadcast_in_dim3A_159 = vector.shape_cast %add3A_158 : vector<8x128xf32> to vector<1x8x128xf32>
    %broadcast_in_dim3A_160 = vector.shape_cast %broadcast_in_dim3A_159 : vector<1x8x128xf32> to vector<1x8x128xf32>
    %broadcast_in_dim3A_161 = vector.broadcast %broadcast_in_dim3A_160 : vector<1x8x128xf32> to vector<512x8x128xf32>
    %reshape3A_162 = vector.shape_cast %broadcast_in_dim3A_161 : vector<512x8x128xf32> to vector<4096x128xf32>
    %mul3A_163 = vector.broadcast %mul3A_142 : f32 to vector<4096x1xf32>
    %mul3A_164 = arith.mulf %convert_element_type3A_18, %mul3A_163 : vector<4096x1xf32>
    %add3A_165 = vector.broadcast %add3A_151 : f32 to vector<4096x1xf32>
    %add3A_166 = arith.addf %mul3A_164, %add3A_165 : vector<4096x1xf32>
    %broadcast_in_dim3A_167 = vector.shape_cast %add3A_166 : vector<4096x1xf32> to vector<4096x1xf32>
    %broadcast_in_dim3A_168 = vector.broadcast %broadcast_in_dim3A_167 : vector<4096x1xf32> to vector<4096x128xf32>
    %select_n3A_169 = arith.select %reshape3A, %broadcast_in_dim3A_168, %reshape3A_162 : vector<4096x128xi1>, vector<4096x128xf32>
    %slice3A_170 = vector.extract_strided_slice %select_n3A_169 {offsets = [0, 0], sizes = [2048, 128], strides = [1, 1]} : vector<4096x128xf32> to vector<2048x128xf32>
    %swap3A_171 = arith.constant 2 : index
    %swap3A_172 = arith.constant 0 : index
    %swap3A_173 = arith.constant 0 : index
    %swap3A_174 = vector.load %arg3[%swap3A_171, %swap3A_172, %swap3A_173] : memref<4x2048x128xf32, #tpu.memory_space<vmem>>, vector<1x2048x128xf32>
    %swap3A_175 = vector.shape_cast %swap3A_174 : vector<1x2048x128xf32> to vector<2048x128xf32>
    %swap3A_176 = vector.shape_cast %slice3A_170 : vector<2048x128xf32> to vector<1x2048x128xf32>
    tpu.vector_store %arg3[%swap3A_171, %swap3A_172, %swap3A_173], %swap3A_176 {strides = array<i32>} : memref<4x2048x128xf32, #tpu.memory_space<vmem>>, vector<1x2048x128xf32>,
    %slice3A_177 = vector.extract_strided_slice %select_n3A_169 {offsets = [2048, 0], sizes = [2048, 128], strides = [1, 1]} : vector<4096x128xf32> to vector<2048x128xf32>
    %swap3A_178 = arith.constant 2 : index
    %swap3A_179 = arith.constant 0 : index
    %swap3A_180 = arith.constant 0 : index
    %swap3A_181 = vector.load %arg4[%swap3A_178, %swap3A_179, %swap3A_180] : memref<4x2048x128xf32, #tpu.memory_space<vmem>>, vector<1x2048x128xf32>
    %swap3A_182 = vector.shape_cast %swap3A_181 : vector<1x2048x128xf32> to vector<2048x128xf32>
    %swap3A_183 = vector.shape_cast %slice3A_177 : vector<2048x128xf32> to vector<1x2048x128xf32>
    tpu.vector_store %arg4[%swap3A_178, %swap3A_179, %swap3A_180], %swap3A_183 {strides = array<i32>} : memref<4x2048x128xf32, #tpu.memory_space<vmem>>, vector<1x2048x128xf32>,
    %mul3A_184 = arith.constant 4 : i32
    %mul3A_185 = arith.muli %arg0, %mul3A_184 : i32
    %add3A_186 = arith.constant 3 : i32
    %add3A_187 = arith.addi %mul3A_185, %add3A_186 : i32
    %get3A_188 = arith.index_cast %add3A_187 : i32 to index
    %get3A_189 = arith.constant 0 : index
    %get3A_190 = memref.load %arg1[%get3A_188, %get3A_189] : memref<32x2xf32, #tpu.memory_space<smem>>
    %get3A_191 = arith.index_cast %add3A_187 : i32 to index
    %get3A_192 = arith.constant 0 : index
    %get3A_193 = memref.load %arg2[%get3A_191, %get3A_192] : memref<32x2xf32, #tpu.memory_space<smem>>
    %get3A_194 = arith.index_cast %add3A_187 : i32 to index
    %get3A_195 = arith.constant 1 : index
    %get3A_196 = memref.load %arg1[%get3A_194, %get3A_195] : memref<32x2xf32, #tpu.memory_space<smem>>
    %sub3A_197 = arith.subf %get3A_196, %get3A_190 : f32
    %mul3A_198 = arith.constant 0.001953125 : f32
    %mul3A_199 = arith.mulf %sub3A_197, %mul3A_198 : f32
    %get3A_200 = arith.index_cast %add3A_187 : i32 to index
    %get3A_201 = arith.constant 1 : index
    %get3A_202 = memref.load %arg2[%get3A_200, %get3A_201] : memref<32x2xf32, #tpu.memory_space<smem>>
    %sub3A_203 = arith.subf %get3A_202, %get3A_193 : f32
    %mul3A_204 = arith.constant 0.001953125 : f32
    %mul3A_205 = arith.mulf %sub3A_203, %mul3A_204 : f32
    %mul3A_206 = arith.constant 5.000000e-01 : f32
    %mul3A_207 = arith.mulf %mul3A_199, %mul3A_206 : f32
    %add3A_208 = arith.addf %get3A_190, %mul3A_207 : f32
    %mul3A_209 = arith.constant 5.000000e-01 : f32
    %mul3A_210 = arith.mulf %mul3A_205, %mul3A_209 : f32
    %add3A_211 = arith.addf %get3A_193, %mul3A_210 : f32
    %mul3A_212 = vector.broadcast %mul3A_205 : f32 to vector<8x128xf32>
    %mul3A_213 = arith.mulf %convert_element_type3A, %mul3A_212 : vector<8x128xf32>
    %add3A_214 = vector.broadcast %add3A_211 : f32 to vector<8x128xf32>
    %add3A_215 = arith.addf %mul3A_213, %add3A_214 : vector<8x128xf32>
    %broadcast_in_dim3A_216 = vector.shape_cast %add3A_215 : vector<8x128xf32> to vector<1x8x128xf32>
    %broadcast_in_dim3A_217 = vector.shape_cast %broadcast_in_dim3A_216 : vector<1x8x128xf32> to vector<1x8x128xf32>
    %broadcast_in_dim3A_218 = vector.broadcast %broadcast_in_dim3A_217 : vector<1x8x128xf32> to vector<512x8x128xf32>
    %reshape3A_219 = vector.shape_cast %broadcast_in_dim3A_218 : vector<512x8x128xf32> to vector<4096x128xf32>
    %mul3A_220 = vector.broadcast %mul3A_199 : f32 to vector<4096x1xf32>
    %mul3A_221 = arith.mulf %convert_element_type3A_18, %mul3A_220 : vector<4096x1xf32>
    %add3A_222 = vector.broadcast %add3A_208 : f32 to vector<4096x1xf32>
    %add3A_223 = arith.addf %mul3A_221, %add3A_222 : vector<4096x1xf32>
    %broadcast_in_dim3A_224 = vector.shape_cast %add3A_223 : vector<4096x1xf32> to vector<4096x1xf32>
    %broadcast_in_dim3A_225 = vector.broadcast %broadcast_in_dim3A_224 : vector<4096x1xf32> to vector<4096x128xf32>
    %select_n3A_226 = arith.select %reshape3A, %broadcast_in_dim3A_225, %reshape3A_219 : vector<4096x128xi1>, vector<4096x128xf32>
    %slice3A_227 = vector.extract_strided_slice %select_n3A_226 {offsets = [0, 0], sizes = [2048, 128], strides = [1, 1]} : vector<4096x128xf32> to vector<2048x128xf32>
    %swap3A_228 = arith.constant 3 : index
    %swap3A_229 = arith.constant 0 : index
    %swap3A_230 = arith.constant 0 : index
    %swap3A_231 = vector.load %arg3[%swap3A_228, %swap3A_229, %swap3A_230] : memref<4x2048x128xf32, #tpu.memory_space<vmem>>, vector<1x2048x128xf32>
    %swap3A_232 = vector.shape_cast %swap3A_231 : vector<1x2048x128xf32> to vector<2048x128xf32>
    %swap3A_233 = vector.shape_cast %slice3A_227 : vector<2048x128xf32> to vector<1x2048x128xf32>
    tpu.vector_store %arg3[%swap3A_228, %swap3A_229, %swap3A_230], %swap3A_233 {strides = array<i32>} : memref<4x2048x128xf32, #tpu.memory_space<vmem>>, vector<1x2048x128xf32>,
    %slice3A_234 = vector.extract_strided_slice %select_n3A_226 {offsets = [2048, 0], sizes = [2048, 128], strides = [1, 1]} : vector<4096x128xf32> to vector<2048x128xf32>
    %swap3A_235 = arith.constant 3 : index
    %swap3A_236 = arith.constant 0 : index
    %swap3A_237 = arith.constant 0 : index
    %swap3A_238 = vector.load %arg4[%swap3A_235, %swap3A_236, %swap3A_237] : memref<4x2048x128xf32, #tpu.memory_space<vmem>>, vector<1x2048x128xf32>
    %swap3A_239 = vector.shape_cast %swap3A_238 : vector<1x2048x128xf32> to vector<2048x128xf32>
    %swap3A_240 = vector.shape_cast %slice3A_234 : vector<2048x128xf32> to vector<1x2048x128xf32>
    tpu.vector_store %arg4[%swap3A_235, %swap3A_236, %swap3A_237], %swap3A_240 {strides = array<i32>} : memref<4x2048x128xf32, #tpu.memory_space<vmem>>, vector<1x2048x128xf32>,
    return
  }
  func.func @transform_0(%arg0: i32) -> (i32, i32) {
    %c0_i32 = arith.constant 0 : i32
    %c0_i32_0 = arith.constant 0 : i32
    %c0_i32_1 = arith.constant 0 : i32
    return %c0_i32, %c0_i32_0 : i32, i32
  }
  func.func @transform_1(%arg0: i32) -> (i32, i32) {
    %c0_i32 = arith.constant 0 : i32
    %c0_i32_0 = arith.constant 0 : i32
    %c0_i32_1 = arith.constant 0 : i32
    return %c0_i32, %c0_i32_0 : i32, i32
  }
  func.func @transform_2(%arg0: i32) -> (i32, i32, i32) {
    %c0_i32 = arith.constant 0 : i32
    %c0_i32_0 = arith.constant 0 : i32
    %c0_i32_1 = arith.constant 0 : i32
    return %arg0, %c0_i32, %c0_i32_0 : i32, i32, i32
  }
  func.func @transform_3(%arg0: i32) -> (i32, i32, i32) {
    %c0_i32 = arith.constant 0 : i32
    %c0_i32_0 = arith.constant 0 : i32
    %c0_i32_1 = arith.constant 0 : i32
    return %arg0, %c0_i32, %c0_i32_0 : i32, i32, i32
  }
}

</mosaic_0001>

<sc_bundles>
// kernel: sparse-core-data-format-call.cloned.1.call-start
scs
called_computation_lowered:
.L_overlay_start_0:
0x0: {  	s2 =	sld [smem:$0x3FD9]  }
0x1: {  	s3 =	sld [smem:$0x3FFE];
	_ =	sdelay $0x1  }
0x2: {  	s1 =	srdreg.scid  }
0x3: {  	s0 =	sand.u32 $0x1, s1  }
0x4: {  	s16 =	sshll.u32 s0, $0xA;
	s2 =	sadd.s32 s3, s2  }
0x5: {  	s2 =	sadd.s32 s2, s16  }
0x6: {  	[smem:$0x3FC5] =	sst s2  }
0x7: {  	_ = 	snop  }
0x8: {  	s2 =	sld [smem:$0x3FD0];
	_ =	sdelay $0x2  }
0x9: {  	s4 =	simm.s32 $0xA;
	s5 =	simm.s32 $0x10;
	s17 =	sld [smem:$0x3FC9]  }
0xa: {  	[smem:s5], [sflag:s4] =	dma.local [hbm:s2], $0x1  }
0xb: {  	_ =	swait.eq [sflag:s4], $0x1  }
0xc: {  	[sflag:s4] =	ssyncset.done $0x0  }
0xd: {  	[sflag:s4] =	ssyncadd.s32 $0xFFFFFFFF  }
0xe: {  	s18 =	sld [smem:$0x11];
	(tm) =	ssettm $0x1  }
0xf: {  	s19 =	sld [smem:$0x3FFB];
	_ =	sdelay $0x3  }
0x10: {  	_ =	strace s19  }
0x11: {  	s4 =	sld [smem:$0x3FFC];
	_ =	sdelay $0x3  }
0x12: {  	_ =	strace s4  }
0x13: {  	s4 =	sld [smem:$0x3FFD];
	_ =	sdelay $0x3  }
0x14: {  	_ =	strace s4  }
0x15: {  	_ =	strace $0x8FFFFFFF  }
0x16: {  	s20 =	sld [smem:$0x3FDB];
	_ =	sdelay $0x1  }
0x17: {  	s21 =	simm.s32 $_scs_section_size  }
0x18: {  	s6 =	simm.s32 $_size__tile_overlayer_lowered;
	s7 =	simm.s32 $_tile_overlayer_lowered  }
0x19: {  	s24 =	simm.s32 $0x1BFF;
	s23 =	sshll.u32 s7, $0x1;
	s4 =	sadd.s32 s21, s20  }
0x1a: {  	s8 =	simm.s32 $0x0;
	s22 =	sshll.u32 s6, $0x1;
	s6 =	sadd.s32 s23, s4  }
0x1b: {  	[timem:s8], [sflag:s24] =	dma.local [hbm:s6], s22  }
0x1c: {  	_ =	swait.ge [sflag:s24], s22  }
0x1d: {  	s5 =	ssub.s32 $0x0, s22;
	[sflag:s24] =	ssyncset.done $0x0  }
0x1e: {  	[sflag:s24] =	ssyncadd.s32 s5;
	_ =	sdelay $0x1  }
0x1f: {  	s25 =	simm.s32 $0x1B8B  }
0x20: {  	_ =	swait.ge [sflag:s25], $0x1  }
0x21: {  	[sflag:s25] =	ssyncset.done $0x0  }
0x22: {  	s26 =	simm.s32 $0x1B8E;
	[sflag:s25] =	ssyncadd.s32 $0xFFFFFFFF  }
0x23: {  	s27 =	simm.s32 $execute0_lowered;
	[smem:$0x3FD2] =	sst s26  }
0x24: {  	s5 =	sshll.u32 s27, $0x1;
	_ =	strace $0x80000046;
	[dreg:$0x1] =	wrdreg $0xFFFFFFFF  }
0x25: {  	s28 =	simm.s32 $_size_execute0_lowered;
	s4 =	sadd.s32 s4, s5;
	[dreg:$0x0] =	wrdreg $0x0  }
0x26: {  	s5 =	sshll.u32 s28, $0x1;
	[dreg:$0x2] =	wrdreg s4  }
0x27: {  	[dreg:$0x3] =	wrdreg s5  }
0x28: {  	[dreg:$0x4] =	wrdreg $0xC0  }
0x29: {  	_ =	task [dreg:s8], $0x5FFFF  }
0x2a: {  	[dreg:$0x1] =	wrdreg $0xFFFFFFFF  }
0x2b: {  	[dreg:$0x0] =	wrdreg $0x60  }
0x2c: {  	[dreg:$0x2] =	wrdreg s17  }
0x2d: {  	[dreg:$0x3] =	wrdreg s18  }
0x2e: {  	[dreg:$0x4] =	wrdreg $0x9  }
0x2f: {  	_ =	task.clear_ibuf [dreg:s8], $0x5FFFF;
	_ =	strace $0x90000046  }
0x30: {  	s29 =	simm.s32 $0x9;
	_ =	strace $0x80000048  }
0x31: {  	_ =	swait.ge [sflag:s29], $0x1  }
0x32: {  	[sflag:s29] =	ssyncadd.s32 $0xFFFFFFFF  }
0x33: {  	_ =	strace $0x90000048  }
0x34: {  	_ =	sfence  }
0x35: {  	s30 =	sld [smem:$0x0];
	_ =	sdelay $0x2  }
0x36: {  	s31 =	sshll.u32 s1, $0xD;
	s1 =	sshrl.u32 s1, $0x2  }
0x37: {  	s3 =	sand.u32 $0x4000, s31;
	s1 =	sadd.s32 s1, s30  }
0x38: {  	s0 =	sor.u32 s3, s0;
	s1 =	sshll.u32 s1, $0x11  }
0x39: {  	s0 =	sor.u32 s1, s0  }
0x3a: {  	s0 =	sadd.s32 $0x8F2B, s0  }
0x3b: {  	[sflag:s0] =	ssyncadd.remote.s32 $0x1  }
0x3c: {  	_ =	sfence.sel $0xFFFF  }
0x3d: {  	[dreg:$0x0] =	wrdreg $0xFFFFFFFF;
	(pc) =	sbr.abs _section_cstart, $3  }
0x3e: {  	[dreg:$0x1] =	wrdreg $0xFFFFFFFF  }
0x3f: {  	_ =	task.clear_ibuf [dreg:s8], $0x2FFFF;
	_ =	strace $0x9FFFFFFF  }
0x40: {  	(tm) =	ssettm $0x7FFFFFFF  }
0x41: {  	_ =	shalt  }
tec
execute0_lowered:
.L_overlay_start_1:
0x0: {  	(tag) =	ssettag $0x1  }
0x1: {  	s2 =	rddreg [dreg:$0x0]  }
0x2: {  	s3 =	rddreg [dreg:$0x1]  }
0x3: {  	s0 =	rddreg [dreg:$0x2]  }
0x4: {  	s1 =	srdreg.scid;
	_ =	strace $0x80000047;
	s7 =	simm.s32 $0x2  }
0x5: {  	s13 =	simm.s32 $0x0;
	p0 =	por $0x0, $0x0;
	s14 =	simm.s32 $0x0  }
0x6: {  	s16 =	simm.s32 $0x0;
	s15 =	simm.s32 $0x0;
	s9 =	simm.s32 $0x0  }
.Ltmp0:
0x7: {  	s10 =	simm.s32 $0x0;
	s4 =	sshll.u32 s1, $0x4;
	(pc) =	sbr.rel .LBB1_1-.Ltmp0, $4  }
0x8: {  	s1 =	stileid.u32;
	s5 =	sand.u32 $0x10, s4;
	s4 =	simm.s32 $0x1  }
0x9: {  	s8 =	simm.s32 $0x0;
	s6 =	sor.u32 s1, s5;
	[sflag:s4] =	ssyncpa.u1 $0x0  }
0xa: {  	s5 =	sand.u32 $0x3, s1;
	s6 =	sshrl.u32 s6, $0x2;
	[sflag:s7] =	ssyncpa.u1 $0x0  }
0xb: {  	s7 =	simm.s32 $0x1000;
	s12 =	smov.u32 s5;
	s11 =	smov.u32 s6  }
.LBB1_5:
0xc: {  	s17 =	sadd.s32 $0x80, s9  }
0xd: {  	s13 =	sadd.s32 $0x80, s10;
	s18 =	smov.u32 s10;
	p2 =	sgt.s32 s17, $0x1FF  }
0xe: {  	s18 =	smov.u32 @p2 s13  }
0xf: {  	s19 =	smov.u32 s11;
	s13 =	sadd.s32 $0x8, s11;
	p3 =	sgt.s32 s18, $0x1FF  }
0x10: {  	s19 =	smov.u32 @p3 s13  }
0x11: {  	s20 =	smov.u32 s12;
	s13 =	sadd.s32 $0x4, s12;
	p4 =	sgt.s32 s19, $0x7  }
0x12: {  	p1 =	slt.u32 s8, $0x2;
	s20 =	smov.u32 @p4 s13  }
0x13: {  	s8 =	sadd.s32 $0x1, s8;
	s17 =	simm.s32 @p2 $0x0;
	p2 =	sgt.s32 s20, $0x3  }
0x14: {  	s21 =	simm.s32 @!p1 $0x2;
	s20 =	smov.u32 @p2 s5;
	p2 =	sne.s32 s8, $0x12  }
.Ltmp1:
0x15: {  	s14 =	smov.u32 s10;
	_ =	swait.ge @!p1 [sflag:s21], $0x4000;
	(pc) =	sbr.rel @!p2 .LBB1_6-.Ltmp1, $4  }
0x16: {  	s16 =	smov.u32 s11;
	s15 =	smov.u32 s12;
	[sflag:s21] =	ssyncset.done @!p1 $0x0  }
0x17: {  	p0 =	por !p0, !p0;
	s18 =	simm.s32 @p3 $0x0;
	[sflag:s21] =	ssyncadd.s32 @!p1 $0xFFFFC000  }
0x18: {  	s10 =	smov.u32 s18;
	s19 =	smov.u32 @p4 s6;
	s13 =	smov.u32 s9  }
0x19: {  	s9 =	smov.u32 s17;
	s11 =	smov.u32 s19;
	s12 =	smov.u32 s20  }
.LBB1_1:
0x1a: {  	p1 =	sgt.u32 s8, $0xF  }
0x1b: {  	s17 =	sxor.u32 @!p1 $0xFFFFFFFF, s8;
	s18 =	sand.u32 @!p1 $0x78, s9;
	s19 =	sshll.u32 @!p1 s10, $0x9  }
0x1c: {  	s20 =	sshll.u32 @!p1 s9, $0x3;
	s21 =	sshll.u32 @!p1 s10, $0x7;
	s17 =	sshll.u32 @!p1 s17, $0xE  }
0x1d: {  	s19 =	sand.u32 @!p1 $0x3F000, s19;
	s20 =	sand.u32 @!p1 $0x3FC00, s20;
	s17 =	sand.u32 @!p1 $0x4000, s17  }
0x1e: {  	s19 =	sadd.s32 @!p1 s19, s20;
	s20 =	sand.u32 @!p1 $0x200, s21;
	s21 =	sand.u32 @!p1 $0x180, s21  }
0x1f: {  	s19 =	sor.u32 @!p1 s20, s19;
	s18 =	sor.u32 @!p1 s18, s21;
	s20 =	sshll.u32 @!p1 s12, $0x12  }
0x20: {  	s21 =	sshll.u32 @!p1 s11, $0xF;
	s19 =	sshrl.u32 @!p1 s19, $0x3;
	s20 =	sadd.s32 @!p1 s2, s20  }
0x21: {  	s18 =	sshrl.u32 @!p1 s18, $0x3;
	s20 =	sadd.s32 @!p1 s21, s20;
	s21 =	sand.u32 @!p1 $0x7, s9  }
0x22: {  	s19 =	sand.u32 @!p1 $0x7FC0, s19;
	s18 =	sadd.s32 @!p1 s18, s20;
	s20 =	sshll.u32 @!p1 s21, $0x12  }
0x23: {  	s18 =	sadd.s32 @!p1 s19, s18;
	s19 =	sor.u32 @!p1 $0x400, s20;
	s20 =	simm.s32 @!p1 $0x1000  }
0x24: {  	[tilespmem:s17], [sflag:$0x1] =	stream.strided.gather @!p1 [hbm4b:s18+s19], $0x4000, s20, s19, $0x38;
	[tilespmem:$0x10000] =	vst v63  }
0x25: {  	p1 =	seq.s32 s8, $0x0  }
0x26: {  	p2 =	seq.s32 @!p1 s8, $0x11  }
0x27: {  	p1 =	por p1, p2  }
.Ltmp2:
0x28: {  	_ = 	snop;
	(pc) =	sbr.rel @p1 .LBB1_5-.Ltmp2, $1  }
0x29: {  	_ =	sdelay $0x3  }
0x2a: {  	s17 =	simm.s32 $0x1  }
0x2b: {  	s17 =	simm.s32 @!p0 $0x0  }
0x2c: {  	s17 =	sshll.u32 s17, $0xE  }
0x2d: {  	s18 =	sor.u32 $0x40, s17  }
0x2e: {  	v1 =	vmov s18;
	_ =	sdelay $0x1  }
0x2f: {  	_ =	swait.ge [sflag:s4], $0x4000  }
0x30: {  	[sflag:s4] =	ssyncset.done $0x0  }
0x31: {  	s19 =	simm.s32 $0x0;
	[sflag:s4] =	ssyncadd.s32 $0xFFFFC000  }
0x32: {  	s17 =	sor.u32 $0x8070, s17;
	v7 =	vld.idx.msk [tilespmem:v1+s19+$0x30 ss:$0x1], $0xffff  }
0x33: {  	v0 =	vmov s17;
	v8 =	vld.idx.msk [tilespmem:v1+s19+$0xFFFFFFC0 ss:$0x1], $0xffff  }
0x34: {  	v6 =	vld.idx.msk [tilespmem:v1+s19+$0xFFFFFFD0 ss:$0x1], $0xffff  }
0x35: {  	v4 =	vld.idx.msk [tilespmem:v1+s19+$0xFFFFFFE0 ss:$0x1], $0xffff  }
0x36: {  	v2 =	vld.idx.msk [tilespmem:v1+s19+$0xFFFFFFF0 ss:$0x1], $0xffff  }
0x37: {  	s31 =	sshll.u32 s8, $0xE;
	v3 =	vld.idx.msk [tilespmem:v1+s19+$0x0 ss:$0x1], $0xffff  }
0x38: {  	s17 =	sand.u32 $0x4000, s31;
	v5 =	vld.idx.msk [tilespmem:v1+s19+$0x10 ss:$0x1], $0xffff;
	[tilespmem:v0+s19+$0x0 ss:$0x1] =	vst.idx.msk $0xffff, v7  }
0x39: {  	s20 =	simm.s32 $0x400;
	s18 =	simm.s32 $0x80;
	s17 =	sor.u32 $0x8000, s17;
	[tilespmem:v0+s19+$0xFFFFFF90 ss:$0x1] =	vst.idx.msk $0xffff, v8;
	v7 =	vld.idx.msk [tilespmem:v1+s19+$0x20 ss:$0x1], $0xffff  }
.LBB1_3:
0x3a: {  	p1 =	sne.s32 s20, $0xFE00;
	v8 =	vld.idx.msk [tilespmem:v1+s18+$0x30 ss:$0x1], $0xffff;
	[tilespmem:v0+s19+$0xFFFFFFA0 ss:$0x1] =	vst.idx.msk $0xffff, v6  }
0x3b: {  	v9 =	vld.idx.msk [tilespmem:v1+s18+$0xFFFFFFC0 ss:$0x1], $0xffff;
	[tilespmem:v0+s19+$0xFFFFFFB0 ss:$0x1] =	vst.idx.msk $0xffff, v4  }
0x3c: {  	v6 =	vld.idx.msk [tilespmem:v1+s18+$0xFFFFFFD0 ss:$0x1], $0xffff;
	[tilespmem:v0+s19+$0xFFFFFFC0 ss:$0x1] =	vst.idx.msk $0xffff, v2  }
.Ltmp3:
0x3d: {  	v4 =	vld.idx.msk [tilespmem:v1+s18+$0xFFFFFFE0 ss:$0x1], $0xffff;
	[tilespmem:v0+s19+$0xFFFFFFD0 ss:$0x1] =	vst.idx.msk $0xffff, v3;
	(pc) =	sbr.rel @p1 .LBB1_3-.Ltmp3, $4  }
0x3e: {  	v2 =	vld.idx.msk [tilespmem:v1+s18+$0xFFFFFFF0 ss:$0x1], $0xffff;
	[tilespmem:v0+s19+$0xFFFFFFE0 ss:$0x1] =	vst.idx.msk $0xffff, v5  }
0x3f: {  	v3 =	vld.idx.msk [tilespmem:v1+s18+$0x0 ss:$0x1], $0xffff;
	[tilespmem:v0+s19+$0xFFFFFFF0 ss:$0x1] =	vst.idx.msk $0xffff, v7;
	s19 =	smov.u32 s18  }
0x40: {  	v5 =	vld.idx.msk [tilespmem:v1+s19+$0x10 ss:$0x1], $0xffff;
	[tilespmem:v0+s19+$0x0 ss:$0x1] =	vst.idx.msk $0xffff, v8  }
0x41: {  	s18 =	sshra.s32 s20, $0x2;
	s20 =	sadd.s32 $0x200, s20;
	[tilespmem:v0+s19+$0xFFFFFF90 ss:$0x1] =	vst.idx.msk $0xffff, v9;
	v7 =	vld.idx.msk [tilespmem:v1+s19+$0x20 ss:$0x1], $0xffff  }
0x42: {  	_ =	sdelay $0x3  }
0x43: {  	[tilespmem:v0+s19+$0xFFFFFFA0 ss:$0x1] =	vst.idx.msk $0xffff, v6  }
0x44: {  	v56 =	vld.idx.msk [tilespmem:v1+s18+$0x30 ss:$0x1], $0xffff;
	[tilespmem:v0+s19+$0xFFFFFFB0 ss:$0x1] =	vst.idx.msk $0xffff, v4  }
0x45: {  	v57 =	vld.idx.msk [tilespmem:v1+s18+$0xFFFFFFC0 ss:$0x1], $0xffff;
	[tilespmem:v0+s19+$0xFFFFFFC0 ss:$0x1] =	vst.idx.msk $0xffff, v2  }
0x46: {  	v58 =	vld.idx.msk [tilespmem:v1+s18+$0xFFFFFFD0 ss:$0x1], $0xffff;
	[tilespmem:v0+s19+$0xFFFFFFD0 ss:$0x1] =	vst.idx.msk $0xffff, v3  }
0x47: {  	v59 =	vld.idx.msk [tilespmem:v1+s18+$0xFFFFFFE0 ss:$0x1], $0xffff;
	[tilespmem:v0+s19+$0xFFFFFFE0 ss:$0x1] =	vst.idx.msk $0xffff, v5  }
0x48: {  	v60 =	vld.idx.msk [tilespmem:v1+s18+$0xFFFFFFF0 ss:$0x1], $0xffff;
	[tilespmem:v0+s19+$0xFFFFFFF0 ss:$0x1] =	vst.idx.msk $0xffff, v7  }
0x49: {  	v61 =	vld.idx.msk [tilespmem:v1+s18+$0x0 ss:$0x1], $0xffff;
	[tilespmem:v0+s18+$0x0 ss:$0x1] =	vst.idx.msk $0xffff, v56  }
0x4a: {  	v62 =	vld.idx.msk [tilespmem:v1+s18+$0x10 ss:$0x1], $0xffff;
	[tilespmem:v0+s18+$0xFFFFFF90 ss:$0x1] =	vst.idx.msk $0xffff, v57  }
0x4b: {  	s16 =	sshll.u32 s16, $0x7;
	v63 =	vld.idx.msk [tilespmem:v1+s18+$0x20 ss:$0x1], $0xffff;
	s29 =	sand.u32 $0x78, s13;
	s30 =	sshll.u32 s13, $0x3;
	[tilespmem:v0+s18+$0xFFFFFFA0 ss:$0x1] =	vst.idx.msk $0xffff, v58  }
0x4c: {  	s15 =	sshll.u32 s15, $0x12;
	s14 =	sshll.u32 s14, $0x9;
	s16 =	sand.u32 $0x380, s16;
	[tilespmem:v0+s18+$0xFFFFFFB0 ss:$0x1] =	vst.idx.msk $0xffff, v59  }
.Ltmp4:
0x4d: {  	s16 =	sor.u32 s29, s16;
	s19 =	sand.u32 $0xC00, s30;
	[tilespmem:v0+s18+$0xFFFFFFC0 ss:$0x1] =	vst.idx.msk $0xffff, v60;
	(pc) =	sbr.rel .LBB1_5-.Ltmp4, $4  }
0x4e: {  	s31 =	sand.u32 $0x7, s13;
	s15 =	sadd.s32 s3, s15;
	[tilespmem:v0+s18+$0xFFFFFFD0 ss:$0x1] =	vst.idx.msk $0xffff, v61;
	s16 =	sor.u32 s19, s16  }
0x4f: {  	s13 =	sshll.u32 s31, $0x12;
	s14 =	sadd.s32 s14, s15;
	[tilespmem:v0+s18+$0xFFFFFFE0 ss:$0x1] =	vst.idx.msk $0xffff, v62;
	s16 =	sshrl.u32 s16, $0x3  }
0x50: {  	s13 =	sor.u32 $0x80, s13;
	[tilespmem:v0+s18+$0xFFFFFFF0 ss:$0x1] =	vst.idx.msk $0xffff, v63;
	s14 =	sadd.s32 s16, s14  }
0x51: {  	[hbm4b:s14+s13] =	stream.strided.scatter [tilespmem:s17], [sflag:$0x2], $0x4000, s7, s13, $0x38;
	[tilespmem:$0x10000] =	vst v63  }
.LBB1_6:
0x52: {  	_ =	sfence.sel $0x180000  }
0x53: {  	s2 =	simm.s32 $0x1;
	[bflag:$0x0] =	sbarrier.arrive $0xFFFF  }
0x54: {  	s31 =	simm.s32 $0x2;
	[sflag:s2] =	ssyncpa.u1 $0x1  }
0x55: {  	[sflag:s31] =	ssyncpa.u1 $0x1  }
0x56: {  	p0 =	sne.s32 s1, $0x0;
	_ =	strace $0x90000047  }
0x57: {  	s0 =	sadd.s32 @!p0 $0x100000, s0;
	[bflag:$0x2] =	sbarrier.arrive $0xFFFF  }
0x58: {  	[sflag:s0] =	ssyncadd.tile.s32 @!p0 $0x1;
	_ =	shalt  }
.Lfunc_end1:
_tile_overlayer_lowered:
.L_overlay_start_2:
0x59: {  	(tag) =	ssettag $0x2  }
0x5a: {  	s0 =	rddreg [dreg:$0x0];
	s2 =	stileid.u32  }
0x5b: {  	s1 =	rddreg [dreg:$0x1];
	p0 =	sne.s32 s2, $0x0  }
0x5c: {  	s3 =	rddreg [dreg:$0x2];
	[bflag:$0x3] =	sbarrier.arrive $0xFFFF;
	s2 =	simm.s32 @!p0 $0x1C01  }
0x5d: {  	[timem:s3], [sflag:s2] =	dma.local @!p0 [hbm:s0], s1  }
0x5e: {  	s0 =	simm.s32 @!p0 $0x1  }
0x5f: {  	_ =	swait.ge @!p0 [sflag:s0], s1  }
0x60: {  	s1 =	ssub.s32 @!p0 $0x0, s1;
	[sflag:s0] =	ssyncset.done @!p0 $0x0  }
0x61: {  	[sflag:s0] =	ssyncadd.s32 @!p0 s1  }
0x62: {  	[bflag:$0x3] =	sbarrier.arrive $0xFFFF  }
0x63: {  	_ =	shalt  }

</sc_bundles>
